<compile_context>
chip_gen: v7x
topology: tpu7x:2x2x1
jax: 0.10.2.dev20260603
libtpu: 0.0.44.dev20260713+nightly
codegen_flags: <defaults>
</compile_context>

<pallas_src>
import functools

import jax
import jax.numpy as jnp
from jax import lax
from jax.experimental import pallas as pl
from jax.experimental.pallas import tpu as pltpu
from jax.experimental.pallas import tpu_sc as plsc

_B = 32
_C = 3
_H = 512
_W = 512
_ROWS = _C * _H
_RB = 1536
_PER_BATCH = _ROWS * _W
_T = 1000

_KS2 = 0x1BD11BDB
_GROUPS = (
    ((13, 15, 26, 6), 1, (_KS2 + 1) & 0xFFFFFFFF),
    ((17, 29, 16, 24), _KS2, 2),
    ((13, 15, 26, 6), 0, 4),
    ((17, 29, 16, 24), 1, (_KS2 + 4) & 0xFFFFFFFF),
    ((13, 15, 26, 6), _KS2, 5),
)

_POLY = (1.2496399879455566, -0.33980274200439453, 0.008512196131050587,
         0.0022090254351496696, 9.226765541825444e-05)

_UNIF_LO = -0.9999999403953552



_TROWS = 8


def _sc_gather_body(ts_hbm, sac_hbm, somac_hbm, ac_hbm, ts_v, rows, sem):
    wid = lax.axis_index("s") * 2 + lax.axis_index("c")

    @pl.when(wid < 4)
    def _():
        j = pl.multiple_of((wid % 2) * 16, 16)
        pltpu.sync_copy(ts_hbm, ts_v)
        ridx = ts_v[pl.ds(j, 16)] >> jnp.int32(7)
        out0 = j

        @pl.when(wid < 2)
        def _():
            pltpu.async_copy(sac_hbm.at[ridx],
                             rows.at[pl.ds(out0, 16)], sem).wait()
            pltpu.sync_copy(rows.at[pl.ds(out0, 16)],
                            ac_hbm.at[pl.ds(out0, 16)])

        @pl.when(wid >= 2)
        def _():
            pltpu.async_copy(somac_hbm.at[ridx],
                             rows.at[pl.ds(_B + out0, 16)], sem).wait()
            pltpu.sync_copy(rows.at[pl.ds(_B + out0, 16)],
                            ac_hbm.at[pl.ds(_B + out0, 16)])


_sc_gather = functools.partial(
    pl.kernel,
    mesh=plsc.VectorSubcoreMesh(core_axis_name="c", subcore_axis_name="s"),
    out_type=jax.ShapeDtypeStruct((2 * _B, 128), jnp.float32),
    scratch_types=[
        pltpu.VMEM((_B,), jnp.int32),
        pltpu.VMEM((2 * _B, 128), jnp.float32),
        pltpu.SemaphoreType.DMA,
    ],
)(_sc_gather_body)



def _rotl(x, d):
    return (x << jnp.uint32(d)) | (x >> jnp.uint32(32 - d))


def _noise_block(x1):
    x0 = x1
    x1 = _rotl(x1, 13) ^ x1
    first = True
    for rots, c0, c1 in _GROUPS:
        for r in (rots[1:] if first else rots):
            x0 = x0 + x1
            x1 = _rotl(x1, r)
            x1 = x1 ^ x0
        first = False
        if c0:
            x0 = x0 + jnp.uint32(c0)
        x1 = x1 + jnp.uint32(c1)
    bits = x0 ^ x1
    m = (bits >> jnp.uint32(9)).astype(jnp.int32).astype(jnp.float32)
    u = m * jnp.float32(2.0 ** -22) + jnp.float32(_UNIF_LO)
    el = jnp.log(jnp.float32(1.0) - u * u)
    p = jnp.float32(_POLY[-1])
    for c in _POLY[-2::-1]:
        p = p * el + jnp.float32(c)
    return p * u


def _tc_body(ts_ref, ac_ref, lab_ref, noised_ref, noise_ref):
    b = pl.program_id(0)
    r = pl.program_id(1)
    lane = ts_ref[b] & jnp.int32(127)
    a = ac_ref[b, lane]
    c = ac_ref[_B + b, lane]
    row = lax.broadcasted_iota(jnp.uint32, (_RB, _W), 0)
    col = lax.broadcasted_iota(jnp.uint32, (_RB, _W), 1)
    base = b.astype(jnp.uint32) * jnp.uint32(_PER_BATCH) \
        + r.astype(jnp.uint32) * jnp.uint32(_RB * _W) + jnp.uint32(1)
    n = _noise_block(base + row * jnp.uint32(_W) + col)
    noised_ref[0] = a * lab_ref[0] + c * n
    noise_ref[0] = n


@jax.jit
def kernel(labels, timestep, sqrt_alphas_cumprod, sqrt_one_minus_alphas_cumprod):
    pad = _TROWS * 128 - _T
    sacp = jnp.pad(sqrt_alphas_cumprod, (0, pad)).reshape(_TROWS, 128)
    somacp = jnp.pad(sqrt_one_minus_alphas_cumprod,
                     (0, pad)).reshape(_TROWS, 128)
    ac = _sc_gather(timestep, sacp, somacp)
    lab3 = labels.reshape(_B, _ROWS, _W)
    smem = pl.BlockSpec(memory_space=pltpu.SMEM)
    dense = pl.BlockSpec((1, _RB, _W), lambda b, r: (b, r, 0))
    noised, noise = pl.pallas_call(
        _tc_body,
        grid=(_B, _ROWS // _RB),
        in_specs=[smem, smem, dense],
        out_specs=[dense, dense],
        out_shape=[jax.ShapeDtypeStruct((_B, _ROWS, _W), jnp.float32)] * 2,
        compiler_params=pltpu.CompilerParams(
            dimension_semantics=("parallel", "parallel")),
    )(timestep, ac, lab3)
    shape = (_B, _C, _H, _W)
    return noised.reshape(shape), noise.reshape(shape)

# --- scband reference (transcript-rebuilt; emitter-appended) ---
"""Pipeline reference for scband-noise-generator-32366873543459 (READ-ONLY COPY).

The authoritative reference and input builder live on the scoring server;
editing this copy changes nothing except your own understanding.
"""

import jax, jax.numpy as jnp
import numpy as np

TIMESTEPS = 1000

def _make_schedule(timesteps):
    beta_start = 0.0001
    beta_end = 0.02
    betas = jnp.linspace(beta_start, beta_end, timesteps, dtype=jnp.float32)
    alphas = 1.0 - betas
    alphas_cumprod = jnp.cumprod(alphas, axis=0)
    sqrt_alphas_cumprod = jnp.sqrt(alphas_cumprod)
    sqrt_one_minus_alphas_cumprod = jnp.sqrt(1.0 - alphas_cumprod)
    return sqrt_alphas_cumprod, sqrt_one_minus_alphas_cumprod

def setup_inputs(seed: int = 0) -> dict:
    key = jax.random.key(seed)
    k1, k2 = jax.random.split(key)
    labels = jax.random.normal(k1, (32, 3, 512, 512), dtype=jnp.float32)
    timestep = jax.random.randint(k2, (32,), 0, TIMESTEPS, dtype=jnp.int32)
    sac, somac = _make_schedule(TIMESTEPS)
    return {"labels": labels, "timestep": timestep, "sqrt_alphas_cumprod": sac, "sqrt_one_minus_alphas_cumprod": somac}

def _extract(a, timestep):
    out = jnp.take(a, timestep, axis=-1)
    return out.reshape(timestep.shape[0], 1, 1, 1)

def reference(labels, timestep, sqrt_alphas_cumprod, sqrt_one_minus_alphas_cumprod):
    # torch.randn_like(labels) -> deterministic jax noise with a fixed key
    noise = jax.random.normal(jax.random.key(1), labels.shape, dtype=labels.dtype)
    sqrt_alphas_cumprod_t = _extract(sqrt_alphas_cumprod, timestep)
    sqrt_one_minus_alphas_cumprod_t = _extract(sqrt_one_minus_alphas_cumprod, timestep)
    noised = sqrt_alphas_cumprod_t * labels + sqrt_one_minus_alphas_cumprod_t * noise
    return (noised, noise)

if __name__ == "__main__":
    import jax
    _d = setup_inputs()
    print(jax.jit(kernel)(*tuple(_d.values())))

</pallas_src>

<mosaic_0001>
#map = affine_map<(d0, d1) -> (0)>
#map1 = affine_map<(d0, d1) -> (0, 0)>
module attributes {stable_mosaic.version = 14 : i64} {
  func.func @_sc_gather_body(%arg0: i32, %arg1: i32, %arg2: memref<32xi32, #tpu.memory_space<hbm>>, %arg3: memref<8x128xf32, #tpu.memory_space<hbm>>, %arg4: memref<8x128xf32, #tpu.memory_space<hbm>>, %arg5: memref<64x128xf32, #tpu.memory_space<hbm>>, %arg6: memref<32xi32, #tpu.memory_space<vmem>>, %arg7: memref<64x128xf32, #tpu.memory_space<vmem>>, %arg8: memref<!tpu.dma_semaphore, #tpu.memory_space<semaphore_mem>>) attributes {dimension_semantics = [#tpu.dimension_semantics<core_parallel>, #tpu.dimension_semantics<subcore_parallel>], iteration_bounds = array<i64: 2, 16>, scalar_prefetch = 0 : i64, scratch_operands = 3 : i64, tpu.core_type = #tpu.core_type<sc_vector_subcore>, window_params = [{transform_indices = #map}, {transform_indices = #map1}, {transform_indices = #map1}, {transform_indices = #map1}]} {
    %mul3A = arith.constant 2 : i32
    %mul3A_0 = arith.muli %arg1, %mul3A : i32
    %add3A = arith.addi %mul3A_0, %arg0 : i32
    %lt3A = arith.constant 4 : i32
    %lt3A_1 = arith.cmpi slt, %add3A, %lt3A : i32
    %convert_element_type3A = arith.extui %lt3A_1 : i1 to i32
    %cond3A = arith.constant 0 : i32
    %cond3A_2 = arith.cmpi ne, %convert_element_type3A, %cond3A : i32
    scf.if %cond3A_2 {
      %jit3A = arith.constant 2 : i32
      %eq3A = arith.constant 0 : i32
      %eq3A_3 = arith.cmpi eq, %jit3A, %eq3A : i32
      %jit3A_4 = arith.constant 1 : i32
      %select_n3A = arith.select %eq3A_3, %jit3A_4, %jit3A : i32
      %rem3A = arith.remsi %add3A, %select_n3A : i32
      %ne3A = arith.constant 0 : i32
      %ne3A_5 = arith.cmpi ne, %rem3A, %ne3A : i32
      %lt3A_6 = arith.constant 0 : i32
      %lt3A_7 = arith.cmpi slt, %rem3A, %lt3A_6 : i32
      %lt3A_8 = arith.constant 0 : i32
      %lt3A_9 = arith.cmpi slt, %select_n3A, %lt3A_8 : i32
      %ne3A_10 = arith.xori %lt3A_7, %lt3A_9 : i1
      %and3A = arith.andi %ne3A_10, %ne3A_5 : i1
      %add3A_11 = arith.addi %rem3A, %select_n3A : i32
      %select_n3A_12 = arith.select %and3A, %add3A_11, %rem3A : i32
      %mul3A_13 = arith.constant 16 : i32
      %mul3A_14 = arith.muli %select_n3A_12, %mul3A_13 : i32
      %multiple_of3A = tpu.assume_multiple %mul3A_14, 16 : i32
      "tpu.region"() ({
        %run_scoped3A = tpu.sem_alloc : memref<!tpu.dma_semaphore, #tpu.memory_space<semaphore_mem>>
        tpu.enqueue_dma source(%arg2 : memref<32xi32, #tpu.memory_space<hbm>>) target(%arg6 : memref<32xi32, #tpu.memory_space<vmem>>) target_semaphore(%run_scoped3A : memref<!tpu.dma_semaphore, #tpu.memory_space<semaphore_mem>>)
        tpu.wait_dma2 semaphore(%run_scoped3A : memref<!tpu.dma_semaphore, #tpu.memory_space<semaphore_mem>>) src(%arg2 : memref<32xi32, #tpu.memory_space<hbm>>) dst(%arg6 : memref<32xi32, #tpu.memory_space<vmem>>)
        tpu.yield
      }) : () -> ()
      %get3A = arith.index_cast %multiple_of3A : i32 to index
      %get3A_15 = tpu.vector_load %arg6[%get3A] {strides = array<i32>} : memref<32xi32, #tpu.memory_space<vmem>>, vector<16xi32>,
      %get3A_16 = vector.shape_cast %get3A_15 : vector<16xi32> to vector<16xi32>
      %shift_right_arithmetic3A = arith.constant 7 : i32
      %shift_right_arithmetic3A_17 = vector.broadcast %shift_right_arithmetic3A : i32 to vector<16xi32>
      %shift_right_arithmetic3A_18 = arith.shrsi %get3A_16, %shift_right_arithmetic3A_17 : vector<16xi32>
      %lt3A_19 = arith.constant 2 : i32
      %lt3A_20 = arith.cmpi slt, %add3A, %lt3A_19 : i32
      %convert_element_type3A_21 = arith.extui %lt3A_20 : i1 to i32
      %cond3A_22 = arith.constant 0 : i32
      %cond3A_23 = arith.cmpi ne, %convert_element_type3A_21, %cond3A_22 : i32
      scf.if %cond3A_23 {
        %dma_start3A = arith.constant 0 : i32
        %dma_start3A_28 = tpu.memref_slice %arg7[%multiple_of3A, %dma_start3A] : memref<64x128xf32, #tpu.memory_space<vmem>> -> memref<16x128xf32, #tpu.memory_space<vmem>>
        %dma_start3A_29 = arith.constant 0 : i32
        %dma_start3A_30 = arith.constant 0 : i32
        %dma_start3A_31 = tpu.memref_slice %arg3[%dma_start3A_29, %dma_start3A_30] : memref<8x128xf32, #tpu.memory_space<hbm>> -> memref<8x128xf32, #tpu.memory_space<hbm>>
        tpu.enqueue_indirect_dma source(%dma_start3A_31 : memref<8x128xf32, #tpu.memory_space<hbm>>) target(%dma_start3A_28 : memref<16x128xf32, #tpu.memory_space<vmem>>) offsets(%shift_right_arithmetic3A_18 : vector<16xi32>) semaphore(%arg8 : memref<!tpu.dma_semaphore, #tpu.memory_space<semaphore_mem>>)
        %dma_wait3A = arith.constant 0 : i32
        %dma_wait3A_32 = tpu.memref_slice %arg7[%multiple_of3A, %dma_wait3A] : memref<64x128xf32, #tpu.memory_space<vmem>> -> memref<16x128xf32, #tpu.memory_space<vmem>>
        %dma_wait3A_33 = arith.constant 0 : i32
        %dma_wait3A_34 = arith.constant 0 : i32
        %dma_wait3A_35 = tpu.memref_slice %arg3[%dma_wait3A_33, %dma_wait3A_34] : memref<8x128xf32, #tpu.memory_space<hbm>> -> memref<8x128xf32, #tpu.memory_space<hbm>>
        tpu.wait_indirect_dma semaphore(%arg8 : memref<!tpu.dma_semaphore, #tpu.memory_space<semaphore_mem>>) src(%dma_wait3A_35 : memref<8x128xf32, #tpu.memory_space<hbm>>) dst(%dma_wait3A_32 : memref<16x128xf32, #tpu.memory_space<vmem>>)
        "tpu.region"() ({
          %run_scoped3A = tpu.sem_alloc : memref<!tpu.dma_semaphore, #tpu.memory_space<semaphore_mem>>
          %dma_start3A_36 = arith.constant 0 : i32
          %dma_start3A_37 = tpu.memref_slice %arg7[%multiple_of3A, %dma_start3A_36] : memref<64x128xf32, #tpu.memory_space<vmem>> -> memref<16x128xf32, #tpu.memory_space<vmem>>
          %dma_start3A_38 = arith.constant 0 : i32
          %dma_start3A_39 = tpu.memref_slice %arg5[%multiple_of3A, %dma_start3A_38] : memref<64x128xf32, #tpu.memory_space<hbm>> -> memref<16x128xf32, #tpu.memory_space<hbm>>
          %dma_start3A_40 = arith.constant 0 : i32
          %dma_start3A_41 = tpu.memref_slice %arg5[%multiple_of3A, %dma_start3A_40] : memref<64x128xf32, #tpu.memory_space<hbm>> -> memref<16x128xf32, #tpu.memory_space<hbm>>
          %dma_start3A_42 = arith.constant 0 : i32
          %dma_start3A_43 = tpu.memref_slice %arg7[%multiple_of3A, %dma_start3A_42] : memref<64x128xf32, #tpu.memory_space<vmem>> -> memref<16x128xf32, #tpu.memory_space<vmem>>
          tpu.enqueue_dma source(%dma_start3A_43 : memref<16x128xf32, #tpu.memory_space<vmem>>) target(%dma_start3A_41 : memref<16x128xf32, #tpu.memory_space<hbm>>) target_semaphore(%run_scoped3A : memref<!tpu.dma_semaphore, #tpu.memory_space<semaphore_mem>>)
          %dma_wait3A_44 = arith.constant 0 : i32
          %dma_wait3A_45 = tpu.memref_slice %arg7[%multiple_of3A, %dma_wait3A_44] : memref<64x128xf32, #tpu.memory_space<vmem>> -> memref<16x128xf32, #tpu.memory_space<vmem>>
          %dma_wait3A_46 = arith.constant 0 : i32
          %dma_wait3A_47 = tpu.memref_slice %arg5[%multiple_of3A, %dma_wait3A_46] : memref<64x128xf32, #tpu.memory_space<hbm>> -> memref<16x128xf32, #tpu.memory_space<hbm>>
          %dma_wait3A_48 = arith.constant 0 : i32
          %dma_wait3A_49 = tpu.memref_slice %arg5[%multiple_of3A, %dma_wait3A_48] : memref<64x128xf32, #tpu.memory_space<hbm>> -> memref<16x128xf32, #tpu.memory_space<hbm>>
          %dma_wait3A_50 = arith.constant 0 : i32
          %dma_wait3A_51 = tpu.memref_slice %arg7[%multiple_of3A, %dma_wait3A_50] : memref<64x128xf32, #tpu.memory_space<vmem>> -> memref<16x128xf32, #tpu.memory_space<vmem>>
          tpu.wait_dma2 semaphore(%run_scoped3A : memref<!tpu.dma_semaphore, #tpu.memory_space<semaphore_mem>>) src(%dma_wait3A_51 : memref<16x128xf32, #tpu.memory_space<vmem>>) dst(%dma_wait3A_49 : memref<16x128xf32, #tpu.memory_space<hbm>>)
          tpu.yield
        }) : () -> ()
      } else {
      }
      %ge3A = arith.constant 2 : i32
      %ge3A_24 = arith.cmpi sge, %add3A, %ge3A : i32
      %convert_element_type3A_25 = arith.extui %ge3A_24 : i1 to i32
      %cond3A_26 = arith.constant 0 : i32
      %cond3A_27 = arith.cmpi ne, %convert_element_type3A_25, %cond3A_26 : i32
      scf.if %cond3A_27 {
        %add3A_28 = arith.constant 32 : i32
        %add3A_29 = arith.addi %add3A_28, %multiple_of3A : i32
        %dma_start3A = arith.constant 0 : i32
        %dma_start3A_30 = tpu.memref_slice %arg7[%add3A_29, %dma_start3A] : memref<64x128xf32, #tpu.memory_space<vmem>> -> memref<16x128xf32, #tpu.memory_space<vmem>>
        %dma_start3A_31 = arith.constant 0 : i32
        %dma_start3A_32 = arith.constant 0 : i32
        %dma_start3A_33 = tpu.memref_slice %arg4[%dma_start3A_31, %dma_start3A_32] : memref<8x128xf32, #tpu.memory_space<hbm>> -> memref<8x128xf32, #tpu.memory_space<hbm>>
        tpu.enqueue_indirect_dma source(%dma_start3A_33 : memref<8x128xf32, #tpu.memory_space<hbm>>) target(%dma_start3A_30 : memref<16x128xf32, #tpu.memory_space<vmem>>) offsets(%shift_right_arithmetic3A_18 : vector<16xi32>) semaphore(%arg8 : memref<!tpu.dma_semaphore, #tpu.memory_space<semaphore_mem>>)
        %dma_wait3A = arith.constant 0 : i32
        %dma_wait3A_34 = tpu.memref_slice %arg7[%add3A_29, %dma_wait3A] : memref<64x128xf32, #tpu.memory_space<vmem>> -> memref<16x128xf32, #tpu.memory_space<vmem>>
        %dma_wait3A_35 = arith.constant 0 : i32
        %dma_wait3A_36 = arith.constant 0 : i32
        %dma_wait3A_37 = tpu.memref_slice %arg4[%dma_wait3A_35, %dma_wait3A_36] : memref<8x128xf32, #tpu.memory_space<hbm>> -> memref<8x128xf32, #tpu.memory_space<hbm>>
        tpu.wait_indirect_dma semaphore(%arg8 : memref<!tpu.dma_semaphore, #tpu.memory_space<semaphore_mem>>) src(%dma_wait3A_37 : memref<8x128xf32, #tpu.memory_space<hbm>>) dst(%dma_wait3A_34 : memref<16x128xf32, #tpu.memory_space<vmem>>)
        %add3A_38 = arith.constant 32 : i32
        %add3A_39 = arith.addi %add3A_38, %multiple_of3A : i32
        %add3A_40 = arith.constant 32 : i32
        %add3A_41 = arith.addi %add3A_40, %multiple_of3A : i32
        "tpu.region"() ({
          %run_scoped3A = tpu.sem_alloc : memref<!tpu.dma_semaphore, #tpu.memory_space<semaphore_mem>>
          %dma_start3A_42 = arith.constant 0 : i32
          %dma_start3A_43 = tpu.memref_slice %arg7[%add3A_39, %dma_start3A_42] : memref<64x128xf32, #tpu.memory_space<vmem>> -> memref<16x128xf32, #tpu.memory_space<vmem>>
          %dma_start3A_44 = arith.constant 0 : i32
          %dma_start3A_45 = tpu.memref_slice %arg5[%add3A_41, %dma_start3A_44] : memref<64x128xf32, #tpu.memory_space<hbm>> -> memref<16x128xf32, #tpu.memory_space<hbm>>
          %dma_start3A_46 = arith.constant 0 : i32
          %dma_start3A_47 = tpu.memref_slice %arg5[%add3A_41, %dma_start3A_46] : memref<64x128xf32, #tpu.memory_space<hbm>> -> memref<16x128xf32, #tpu.memory_space<hbm>>
          %dma_start3A_48 = arith.constant 0 : i32
          %dma_start3A_49 = tpu.memref_slice %arg7[%add3A_39, %dma_start3A_48] : memref<64x128xf32, #tpu.memory_space<vmem>> -> memref<16x128xf32, #tpu.memory_space<vmem>>
          tpu.enqueue_dma source(%dma_start3A_49 : memref<16x128xf32, #tpu.memory_space<vmem>>) target(%dma_start3A_47 : memref<16x128xf32, #tpu.memory_space<hbm>>) target_semaphore(%run_scoped3A : memref<!tpu.dma_semaphore, #tpu.memory_space<semaphore_mem>>)
          %dma_wait3A_50 = arith.constant 0 : i32
          %dma_wait3A_51 = tpu.memref_slice %arg7[%add3A_39, %dma_wait3A_50] : memref<64x128xf32, #tpu.memory_space<vmem>> -> memref<16x128xf32, #tpu.memory_space<vmem>>
          %dma_wait3A_52 = arith.constant 0 : i32
          %dma_wait3A_53 = tpu.memref_slice %arg5[%add3A_41, %dma_wait3A_52] : memref<64x128xf32, #tpu.memory_space<hbm>> -> memref<16x128xf32, #tpu.memory_space<hbm>>
          %dma_wait3A_54 = arith.constant 0 : i32
          %dma_wait3A_55 = tpu.memref_slice %arg5[%add3A_41, %dma_wait3A_54] : memref<64x128xf32, #tpu.memory_space<hbm>> -> memref<16x128xf32, #tpu.memory_space<hbm>>
          %dma_wait3A_56 = arith.constant 0 : i32
          %dma_wait3A_57 = tpu.memref_slice %arg7[%add3A_39, %dma_wait3A_56] : memref<64x128xf32, #tpu.memory_space<vmem>> -> memref<16x128xf32, #tpu.memory_space<vmem>>
          tpu.wait_dma2 semaphore(%run_scoped3A : memref<!tpu.dma_semaphore, #tpu.memory_space<semaphore_mem>>) src(%dma_wait3A_57 : memref<16x128xf32, #tpu.memory_space<vmem>>) dst(%dma_wait3A_55 : memref<16x128xf32, #tpu.memory_space<hbm>>)
          tpu.yield
        }) : () -> ()
      } else {
      }
    } else {
    }
    return
  }
}

module attributes {stable_mosaic.version = 14 : i64} {
  func.func @_tc_body(%arg0: i32, %arg1: i32, %arg2: memref<32xi32, #tpu.memory_space<smem>>, %arg3: memref<64x128xf32, #tpu.memory_space<smem>>, %arg4: memref<1x1536x512xf32, #tpu.memory_space<vmem>>, %arg5: memref<1x1536x512xf32, #tpu.memory_space<vmem>>, %arg6: memref<1x1536x512xf32, #tpu.memory_space<vmem>>) attributes {dimension_semantics = [#tpu.dimension_semantics<parallel>, #tpu.dimension_semantics<parallel>], iteration_bounds = array<i64: 32, 1>, scalar_prefetch = 0 : i64, scratch_operands = 0 : i64, tpu.core_type = #tpu.core_type<tc>, window_params = [{transform_indices = @transform_0, window_bounds = array<i64: 32>}, {transform_indices = @transform_1, window_bounds = array<i64: 64, 128>}, {transform_indices = @transform_2, window_bounds = array<i64: 1, 1536, 512>}, {transform_indices = @transform_3, window_bounds = array<i64: 1, 1536, 512>}, {transform_indices = @transform_4, window_bounds = array<i64: 1, 1536, 512>}]} {
    %get3A = arith.index_cast %arg0 : i32 to index
    %get3A_0 = memref.load %arg2[%get3A] : memref<32xi32, #tpu.memory_space<smem>>
    %and3A = arith.constant 127 : i32
    %and3A_1 = arith.andi %get3A_0, %and3A : i32
    %get3A_2 = arith.index_cast %arg0 : i32 to index
    %get3A_3 = arith.index_cast %and3A_1 : i32 to index
    %get3A_4 = memref.load %arg3[%get3A_2, %get3A_3] : memref<64x128xf32, #tpu.memory_space<smem>>
    %add3A = arith.constant 32 : i32
    %add3A_5 = arith.addi %add3A, %arg0 : i32
    %get3A_6 = arith.index_cast %add3A_5 : i32 to index
    %get3A_7 = arith.index_cast %and3A_1 : i32 to index
    %get3A_8 = memref.load %arg3[%get3A_6, %get3A_7] : memref<64x128xf32, #tpu.memory_space<smem>>
    %iota3A = tpu.iota {dimensions = array<i32: 0>} : vector<1536x512xi32>
    %iota3A_9 = tpu.iota {dimensions = array<i32: 1>} : vector<1536x512xi32>
    %mul3A = arith.constant 786432 : i32
    %mul3A_10 = arith.muli %arg0, %mul3A : i32
    %mul3A_11 = arith.constant 786432 : i32
    %mul3A_12 = arith.muli %arg1, %mul3A_11 : i32
    %add3A_13 = arith.addi %mul3A_10, %mul3A_12 : i32
    %add3A_14 = arith.constant 1 : i32
    %add3A_15 = arith.addi %add3A_13, %add3A_14 : i32
    %mul3A_16 = arith.constant 512 : i32
    %mul3A_17 = vector.broadcast %mul3A_16 : i32 to vector<1536x512xi32>
    %mul3A_18 = arith.muli %iota3A, %mul3A_17 : vector<1536x512xi32>
    %add3A_19 = vector.broadcast %add3A_15 : i32 to vector<1536x512xi32>
    %add3A_20 = arith.addi %add3A_19, %mul3A_18 : vector<1536x512xi32>
    %add3A_21 = arith.addi %add3A_20, %iota3A_9 : vector<1536x512xi32>
    %shift_left3A = arith.constant 13 : i32
    %shift_left3A_22 = vector.broadcast %shift_left3A : i32 to vector<1536x512xi32>
    %shift_left3A_23 = arith.shli %add3A_21, %shift_left3A_22 : vector<1536x512xi32>
    %shift_right_logical3A = arith.constant 19 : i32
    %shift_right_logical3A_24 = vector.broadcast %shift_right_logical3A : i32 to vector<1536x512xi32>
    %shift_right_logical3A_25 = arith.shrui %add3A_21, %shift_right_logical3A_24 : vector<1536x512xi32>
    %or3A = arith.ori %shift_left3A_23, %shift_right_logical3A_25 : vector<1536x512xi32>
    %xor3A = arith.xori %or3A, %add3A_21 : vector<1536x512xi32>
    %add3A_26 = arith.addi %add3A_21, %xor3A : vector<1536x512xi32>
    %shift_left3A_27 = arith.constant 15 : i32
    %shift_left3A_28 = vector.broadcast %shift_left3A_27 : i32 to vector<1536x512xi32>
    %shift_left3A_29 = arith.shli %xor3A, %shift_left3A_28 : vector<1536x512xi32>
    %shift_right_logical3A_30 = arith.constant 17 : i32
    %shift_right_logical3A_31 = vector.broadcast %shift_right_logical3A_30 : i32 to vector<1536x512xi32>
    %shift_right_logical3A_32 = arith.shrui %xor3A, %shift_right_logical3A_31 : vector<1536x512xi32>
    %or3A_33 = arith.ori %shift_left3A_29, %shift_right_logical3A_32 : vector<1536x512xi32>
    %xor3A_34 = arith.xori %or3A_33, %add3A_26 : vector<1536x512xi32>
    %add3A_35 = arith.addi %add3A_26, %xor3A_34 : vector<1536x512xi32>
    %shift_left3A_36 = arith.constant 26 : i32
    %shift_left3A_37 = vector.broadcast %shift_left3A_36 : i32 to vector<1536x512xi32>
    %shift_left3A_38 = arith.shli %xor3A_34, %shift_left3A_37 : vector<1536x512xi32>
    %shift_right_logical3A_39 = arith.constant 6 : i32
    %shift_right_logical3A_40 = vector.broadcast %shift_right_logical3A_39 : i32 to vector<1536x512xi32>
    %shift_right_logical3A_41 = arith.shrui %xor3A_34, %shift_right_logical3A_40 : vector<1536x512xi32>
    %or3A_42 = arith.ori %shift_left3A_38, %shift_right_logical3A_41 : vector<1536x512xi32>
    %xor3A_43 = arith.xori %or3A_42, %add3A_35 : vector<1536x512xi32>
    %add3A_44 = arith.addi %add3A_35, %xor3A_43 : vector<1536x512xi32>
    %shift_left3A_45 = arith.constant 6 : i32
    %shift_left3A_46 = vector.broadcast %shift_left3A_45 : i32 to vector<1536x512xi32>
    %shift_left3A_47 = arith.shli %xor3A_43, %shift_left3A_46 : vector<1536x512xi32>
    %shift_right_logical3A_48 = arith.constant 26 : i32
    %shift_right_logical3A_49 = vector.broadcast %shift_right_logical3A_48 : i32 to vector<1536x512xi32>
    %shift_right_logical3A_50 = arith.shrui %xor3A_43, %shift_right_logical3A_49 : vector<1536x512xi32>
    %or3A_51 = arith.ori %shift_left3A_47, %shift_right_logical3A_50 : vector<1536x512xi32>
    %xor3A_52 = arith.xori %or3A_51, %add3A_44 : vector<1536x512xi32>
    %add3A_53 = arith.constant 1 : i32
    %add3A_54 = vector.broadcast %add3A_53 : i32 to vector<1536x512xi32>
    %add3A_55 = arith.addi %add3A_44, %add3A_54 : vector<1536x512xi32>
    %add3A_56 = arith.constant 466688988 : i32
    %add3A_57 = vector.broadcast %add3A_56 : i32 to vector<1536x512xi32>
    %add3A_58 = arith.addi %xor3A_52, %add3A_57 : vector<1536x512xi32>
    %add3A_59 = arith.addi %add3A_55, %add3A_58 : vector<1536x512xi32>
    %shift_left3A_60 = arith.constant 17 : i32
    %shift_left3A_61 = vector.broadcast %shift_left3A_60 : i32 to vector<1536x512xi32>
    %shift_left3A_62 = arith.shli %add3A_58, %shift_left3A_61 : vector<1536x512xi32>
    %shift_right_logical3A_63 = arith.constant 15 : i32
    %shift_right_logical3A_64 = vector.broadcast %shift_right_logical3A_63 : i32 to vector<1536x512xi32>
    %shift_right_logical3A_65 = arith.shrui %add3A_58, %shift_right_logical3A_64 : vector<1536x512xi32>
    %or3A_66 = arith.ori %shift_left3A_62, %shift_right_logical3A_65 : vector<1536x512xi32>
    %xor3A_67 = arith.xori %or3A_66, %add3A_59 : vector<1536x512xi32>
    %add3A_68 = arith.addi %add3A_59, %xor3A_67 : vector<1536x512xi32>
    %shift_left3A_69 = arith.constant 29 : i32
    %shift_left3A_70 = vector.broadcast %shift_left3A_69 : i32 to vector<1536x512xi32>
    %shift_left3A_71 = arith.shli %xor3A_67, %shift_left3A_70 : vector<1536x512xi32>
    %shift_right_logical3A_72 = arith.constant 3 : i32
    %shift_right_logical3A_73 = vector.broadcast %shift_right_logical3A_72 : i32 to vector<1536x512xi32>
    %shift_right_logical3A_74 = arith.shrui %xor3A_67, %shift_right_logical3A_73 : vector<1536x512xi32>
    %or3A_75 = arith.ori %shift_left3A_71, %shift_right_logical3A_74 : vector<1536x512xi32>
    %xor3A_76 = arith.xori %or3A_75, %add3A_68 : vector<1536x512xi32>
    %add3A_77 = arith.addi %add3A_68, %xor3A_76 : vector<1536x512xi32>
    %shift_left3A_78 = arith.constant 16 : i32
    %shift_left3A_79 = vector.broadcast %shift_left3A_78 : i32 to vector<1536x512xi32>
    %shift_left3A_80 = arith.shli %xor3A_76, %shift_left3A_79 : vector<1536x512xi32>
    %shift_right_logical3A_81 = arith.constant 16 : i32
    %shift_right_logical3A_82 = vector.broadcast %shift_right_logical3A_81 : i32 to vector<1536x512xi32>
    %shift_right_logical3A_83 = arith.shrui %xor3A_76, %shift_right_logical3A_82 : vector<1536x512xi32>
    %or3A_84 = arith.ori %shift_left3A_80, %shift_right_logical3A_83 : vector<1536x512xi32>
    %xor3A_85 = arith.xori %or3A_84, %add3A_77 : vector<1536x512xi32>
    %add3A_86 = arith.addi %add3A_77, %xor3A_85 : vector<1536x512xi32>
    %shift_left3A_87 = arith.constant 24 : i32
    %shift_left3A_88 = vector.broadcast %shift_left3A_87 : i32 to vector<1536x512xi32>
    %shift_left3A_89 = arith.shli %xor3A_85, %shift_left3A_88 : vector<1536x512xi32>
    %shift_right_logical3A_90 = arith.constant 8 : i32
    %shift_right_logical3A_91 = vector.broadcast %shift_right_logical3A_90 : i32 to vector<1536x512xi32>
    %shift_right_logical3A_92 = arith.shrui %xor3A_85, %shift_right_logical3A_91 : vector<1536x512xi32>
    %or3A_93 = arith.ori %shift_left3A_89, %shift_right_logical3A_92 : vector<1536x512xi32>
    %xor3A_94 = arith.xori %or3A_93, %add3A_86 : vector<1536x512xi32>
    %add3A_95 = arith.constant 466688987 : i32
    %add3A_96 = vector.broadcast %add3A_95 : i32 to vector<1536x512xi32>
    %add3A_97 = arith.addi %add3A_86, %add3A_96 : vector<1536x512xi32>
    %add3A_98 = arith.constant 2 : i32
    %add3A_99 = vector.broadcast %add3A_98 : i32 to vector<1536x512xi32>
    %add3A_100 = arith.addi %xor3A_94, %add3A_99 : vector<1536x512xi32>
    %add3A_101 = arith.addi %add3A_97, %add3A_100 : vector<1536x512xi32>
    %shift_left3A_102 = arith.constant 13 : i32
    %shift_left3A_103 = vector.broadcast %shift_left3A_102 : i32 to vector<1536x512xi32>
    %shift_left3A_104 = arith.shli %add3A_100, %shift_left3A_103 : vector<1536x512xi32>
    %shift_right_logical3A_105 = arith.constant 19 : i32
    %shift_right_logical3A_106 = vector.broadcast %shift_right_logical3A_105 : i32 to vector<1536x512xi32>
    %shift_right_logical3A_107 = arith.shrui %add3A_100, %shift_right_logical3A_106 : vector<1536x512xi32>
    %or3A_108 = arith.ori %shift_left3A_104, %shift_right_logical3A_107 : vector<1536x512xi32>
    %xor3A_109 = arith.xori %or3A_108, %add3A_101 : vector<1536x512xi32>
    %add3A_110 = arith.addi %add3A_101, %xor3A_109 : vector<1536x512xi32>
    %shift_left3A_111 = arith.constant 15 : i32
    %shift_left3A_112 = vector.broadcast %shift_left3A_111 : i32 to vector<1536x512xi32>
    %shift_left3A_113 = arith.shli %xor3A_109, %shift_left3A_112 : vector<1536x512xi32>
    %shift_right_logical3A_114 = arith.constant 17 : i32
    %shift_right_logical3A_115 = vector.broadcast %shift_right_logical3A_114 : i32 to vector<1536x512xi32>
    %shift_right_logical3A_116 = arith.shrui %xor3A_109, %shift_right_logical3A_115 : vector<1536x512xi32>
    %or3A_117 = arith.ori %shift_left3A_113, %shift_right_logical3A_116 : vector<1536x512xi32>
    %xor3A_118 = arith.xori %or3A_117, %add3A_110 : vector<1536x512xi32>
    %add3A_119 = arith.addi %add3A_110, %xor3A_118 : vector<1536x512xi32>
    %shift_left3A_120 = arith.constant 26 : i32
    %shift_left3A_121 = vector.broadcast %shift_left3A_120 : i32 to vector<1536x512xi32>
    %shift_left3A_122 = arith.shli %xor3A_118, %shift_left3A_121 : vector<1536x512xi32>
    %shift_right_logical3A_123 = arith.constant 6 : i32
    %shift_right_logical3A_124 = vector.broadcast %shift_right_logical3A_123 : i32 to vector<1536x512xi32>
    %shift_right_logical3A_125 = arith.shrui %xor3A_118, %shift_right_logical3A_124 : vector<1536x512xi32>
    %or3A_126 = arith.ori %shift_left3A_122, %shift_right_logical3A_125 : vector<1536x512xi32>
    %xor3A_127 = arith.xori %or3A_126, %add3A_119 : vector<1536x512xi32>
    %add3A_128 = arith.addi %add3A_119, %xor3A_127 : vector<1536x512xi32>
    %shift_left3A_129 = arith.constant 6 : i32
    %shift_left3A_130 = vector.broadcast %shift_left3A_129 : i32 to vector<1536x512xi32>
    %shift_left3A_131 = arith.shli %xor3A_127, %shift_left3A_130 : vector<1536x512xi32>
    %shift_right_logical3A_132 = arith.constant 26 : i32
    %shift_right_logical3A_133 = vector.broadcast %shift_right_logical3A_132 : i32 to vector<1536x512xi32>
    %shift_right_logical3A_134 = arith.shrui %xor3A_127, %shift_right_logical3A_133 : vector<1536x512xi32>
    %or3A_135 = arith.ori %shift_left3A_131, %shift_right_logical3A_134 : vector<1536x512xi32>
    %xor3A_136 = arith.xori %or3A_135, %add3A_128 : vector<1536x512xi32>
    %add3A_137 = arith.constant 4 : i32
    %add3A_138 = vector.broadcast %add3A_137 : i32 to vector<1536x512xi32>
    %add3A_139 = arith.addi %xor3A_136, %add3A_138 : vector<1536x512xi32>
    %add3A_140 = arith.addi %add3A_128, %add3A_139 : vector<1536x512xi32>
    %shift_left3A_141 = arith.constant 17 : i32
    %shift_left3A_142 = vector.broadcast %shift_left3A_141 : i32 to vector<1536x512xi32>
    %shift_left3A_143 = arith.shli %add3A_139, %shift_left3A_142 : vector<1536x512xi32>
    %shift_right_logical3A_144 = arith.constant 15 : i32
    %shift_right_logical3A_145 = vector.broadcast %shift_right_logical3A_144 : i32 to vector<1536x512xi32>
    %shift_right_logical3A_146 = arith.shrui %add3A_139, %shift_right_logical3A_145 : vector<1536x512xi32>
    %or3A_147 = arith.ori %shift_left3A_143, %shift_right_logical3A_146 : vector<1536x512xi32>
    %xor3A_148 = arith.xori %or3A_147, %add3A_140 : vector<1536x512xi32>
    %add3A_149 = arith.addi %add3A_140, %xor3A_148 : vector<1536x512xi32>
    %shift_left3A_150 = arith.constant 29 : i32
    %shift_left3A_151 = vector.broadcast %shift_left3A_150 : i32 to vector<1536x512xi32>
    %shift_left3A_152 = arith.shli %xor3A_148, %shift_left3A_151 : vector<1536x512xi32>
    %shift_right_logical3A_153 = arith.constant 3 : i32
    %shift_right_logical3A_154 = vector.broadcast %shift_right_logical3A_153 : i32 to vector<1536x512xi32>
    %shift_right_logical3A_155 = arith.shrui %xor3A_148, %shift_right_logical3A_154 : vector<1536x512xi32>
    %or3A_156 = arith.ori %shift_left3A_152, %shift_right_logical3A_155 : vector<1536x512xi32>
    %xor3A_157 = arith.xori %or3A_156, %add3A_149 : vector<1536x512xi32>
    %add3A_158 = arith.addi %add3A_149, %xor3A_157 : vector<1536x512xi32>
    %shift_left3A_159 = arith.constant 16 : i32
    %shift_left3A_160 = vector.broadcast %shift_left3A_159 : i32 to vector<1536x512xi32>
    %shift_left3A_161 = arith.shli %xor3A_157, %shift_left3A_160 : vector<1536x512xi32>
    %shift_right_logical3A_162 = arith.constant 16 : i32
    %shift_right_logical3A_163 = vector.broadcast %shift_right_logical3A_162 : i32 to vector<1536x512xi32>
    %shift_right_logical3A_164 = arith.shrui %xor3A_157, %shift_right_logical3A_163 : vector<1536x512xi32>
    %or3A_165 = arith.ori %shift_left3A_161, %shift_right_logical3A_164 : vector<1536x512xi32>
    %xor3A_166 = arith.xori %or3A_165, %add3A_158 : vector<1536x512xi32>
    %add3A_167 = arith.addi %add3A_158, %xor3A_166 : vector<1536x512xi32>
    %shift_left3A_168 = arith.constant 24 : i32
    %shift_left3A_169 = vector.broadcast %shift_left3A_168 : i32 to vector<1536x512xi32>
    %shift_left3A_170 = arith.shli %xor3A_166, %shift_left3A_169 : vector<1536x512xi32>
    %shift_right_logical3A_171 = arith.constant 8 : i32
    %shift_right_logical3A_172 = vector.broadcast %shift_right_logical3A_171 : i32 to vector<1536x512xi32>
    %shift_right_logical3A_173 = arith.shrui %xor3A_166, %shift_right_logical3A_172 : vector<1536x512xi32>
    %or3A_174 = arith.ori %shift_left3A_170, %shift_right_logical3A_173 : vector<1536x512xi32>
    %xor3A_175 = arith.xori %or3A_174, %add3A_167 : vector<1536x512xi32>
    %add3A_176 = arith.constant 1 : i32
    %add3A_177 = vector.broadcast %add3A_176 : i32 to vector<1536x512xi32>
    %add3A_178 = arith.addi %add3A_167, %add3A_177 : vector<1536x512xi32>
    %add3A_179 = arith.constant 466688991 : i32
    %add3A_180 = vector.broadcast %add3A_179 : i32 to vector<1536x512xi32>
    %add3A_181 = arith.addi %xor3A_175, %add3A_180 : vector<1536x512xi32>
    %add3A_182 = arith.addi %add3A_178, %add3A_181 : vector<1536x512xi32>
    %shift_left3A_183 = arith.constant 13 : i32
    %shift_left3A_184 = vector.broadcast %shift_left3A_183 : i32 to vector<1536x512xi32>
    %shift_left3A_185 = arith.shli %add3A_181, %shift_left3A_184 : vector<1536x512xi32>
    %shift_right_logical3A_186 = arith.constant 19 : i32
    %shift_right_logical3A_187 = vector.broadcast %shift_right_logical3A_186 : i32 to vector<1536x512xi32>
    %shift_right_logical3A_188 = arith.shrui %add3A_181, %shift_right_logical3A_187 : vector<1536x512xi32>
    %or3A_189 = arith.ori %shift_left3A_185, %shift_right_logical3A_188 : vector<1536x512xi32>
    %xor3A_190 = arith.xori %or3A_189, %add3A_182 : vector<1536x512xi32>
    %add3A_191 = arith.addi %add3A_182, %xor3A_190 : vector<1536x512xi32>
    %shift_left3A_192 = arith.constant 15 : i32
    %shift_left3A_193 = vector.broadcast %shift_left3A_192 : i32 to vector<1536x512xi32>
    %shift_left3A_194 = arith.shli %xor3A_190, %shift_left3A_193 : vector<1536x512xi32>
    %shift_right_logical3A_195 = arith.constant 17 : i32
    %shift_right_logical3A_196 = vector.broadcast %shift_right_logical3A_195 : i32 to vector<1536x512xi32>
    %shift_right_logical3A_197 = arith.shrui %xor3A_190, %shift_right_logical3A_196 : vector<1536x512xi32>
    %or3A_198 = arith.ori %shift_left3A_194, %shift_right_logical3A_197 : vector<1536x512xi32>
    %xor3A_199 = arith.xori %or3A_198, %add3A_191 : vector<1536x512xi32>
    %add3A_200 = arith.addi %add3A_191, %xor3A_199 : vector<1536x512xi32>
    %shift_left3A_201 = arith.constant 26 : i32
    %shift_left3A_202 = vector.broadcast %shift_left3A_201 : i32 to vector<1536x512xi32>
    %shift_left3A_203 = arith.shli %xor3A_199, %shift_left3A_202 : vector<1536x512xi32>
    %shift_right_logical3A_204 = arith.constant 6 : i32
    %shift_right_logical3A_205 = vector.broadcast %shift_right_logical3A_204 : i32 to vector<1536x512xi32>
    %shift_right_logical3A_206 = arith.shrui %xor3A_199, %shift_right_logical3A_205 : vector<1536x512xi32>
    %or3A_207 = arith.ori %shift_left3A_203, %shift_right_logical3A_206 : vector<1536x512xi32>
    %xor3A_208 = arith.xori %or3A_207, %add3A_200 : vector<1536x512xi32>
    %add3A_209 = arith.addi %add3A_200, %xor3A_208 : vector<1536x512xi32>
    %shift_left3A_210 = arith.constant 6 : i32
    %shift_left3A_211 = vector.broadcast %shift_left3A_210 : i32 to vector<1536x512xi32>
    %shift_left3A_212 = arith.shli %xor3A_208, %shift_left3A_211 : vector<1536x512xi32>
    %shift_right_logical3A_213 = arith.constant 26 : i32
    %shift_right_logical3A_214 = vector.broadcast %shift_right_logical3A_213 : i32 to vector<1536x512xi32>
    %shift_right_logical3A_215 = arith.shrui %xor3A_208, %shift_right_logical3A_214 : vector<1536x512xi32>
    %or3A_216 = arith.ori %shift_left3A_212, %shift_right_logical3A_215 : vector<1536x512xi32>
    %xor3A_217 = arith.xori %or3A_216, %add3A_209 : vector<1536x512xi32>
    %add3A_218 = arith.constant 466688987 : i32
    %add3A_219 = vector.broadcast %add3A_218 : i32 to vector<1536x512xi32>
    %add3A_220 = arith.addi %add3A_209, %add3A_219 : vector<1536x512xi32>
    %add3A_221 = arith.constant 5 : i32
    %add3A_222 = vector.broadcast %add3A_221 : i32 to vector<1536x512xi32>
    %add3A_223 = arith.addi %xor3A_217, %add3A_222 : vector<1536x512xi32>
    %xor3A_224 = arith.xori %add3A_220, %add3A_223 : vector<1536x512xi32>
    %shift_right_logical3A_225 = arith.constant 9 : i32
    %shift_right_logical3A_226 = vector.broadcast %shift_right_logical3A_225 : i32 to vector<1536x512xi32>
    %shift_right_logical3A_227 = arith.shrui %xor3A_224, %shift_right_logical3A_226 : vector<1536x512xi32>
    %convert_element_type3A = arith.sitofp %shift_right_logical3A_227 : vector<1536x512xi32> to vector<1536x512xf32>
    %mul3A_228 = arith.constant 2.38418579E-7 : f32
    %mul3A_229 = vector.broadcast %mul3A_228 : f32 to vector<1536x512xf32>
    %mul3A_230 = arith.mulf %convert_element_type3A, %mul3A_229 : vector<1536x512xf32>
    %add3A_231 = arith.constant -0.99999994 : f32
    %add3A_232 = vector.broadcast %add3A_231 : f32 to vector<1536x512xf32>
    %add3A_233 = arith.addf %mul3A_230, %add3A_232 : vector<1536x512xf32>
    %mul3A_234 = arith.mulf %add3A_233, %add3A_233 : vector<1536x512xf32>
    %sub3A = arith.constant 1.000000e+00 : f32
    %sub3A_235 = vector.broadcast %sub3A : f32 to vector<1536x512xf32>
    %sub3A_236 = arith.subf %sub3A_235, %mul3A_234 : vector<1536x512xf32>
    %log3A = math.log %sub3A_236 : vector<1536x512xf32>
    %mul3A_237 = arith.constant 9.22676554E-5 : f32
    %mul3A_238 = vector.broadcast %mul3A_237 : f32 to vector<1536x512xf32>
    %mul3A_239 = arith.mulf %mul3A_238, %log3A : vector<1536x512xf32>
    %add3A_240 = arith.constant 0.00220902544 : f32
    %add3A_241 = vector.broadcast %add3A_240 : f32 to vector<1536x512xf32>
    %add3A_242 = arith.addf %mul3A_239, %add3A_241 : vector<1536x512xf32>
    %mul3A_243 = arith.mulf %add3A_242, %log3A : vector<1536x512xf32>
    %add3A_244 = arith.constant 0.00851219613 : f32
    %add3A_245 = vector.broadcast %add3A_244 : f32 to vector<1536x512xf32>
    %add3A_246 = arith.addf %mul3A_243, %add3A_245 : vector<1536x512xf32>
    %mul3A_247 = arith.mulf %add3A_246, %log3A : vector<1536x512xf32>
    %add3A_248 = arith.constant -0.339802742 : f32
    %add3A_249 = vector.broadcast %add3A_248 : f32 to vector<1536x512xf32>
    %add3A_250 = arith.addf %mul3A_247, %add3A_249 : vector<1536x512xf32>
    %mul3A_251 = arith.mulf %add3A_250, %log3A : vector<1536x512xf32>
    %add3A_252 = arith.constant 1.249640e+00 : f32
    %add3A_253 = vector.broadcast %add3A_252 : f32 to vector<1536x512xf32>
    %add3A_254 = arith.addf %mul3A_251, %add3A_253 : vector<1536x512xf32>
    %mul3A_255 = arith.mulf %add3A_254, %add3A_233 : vector<1536x512xf32>
    %get3A_256 = arith.constant 0 : index
    %get3A_257 = arith.constant 0 : index
    %get3A_258 = arith.constant 0 : index
    %get3A_259 = vector.load %arg4[%get3A_256, %get3A_257, %get3A_258] : memref<1x1536x512xf32, #tpu.memory_space<vmem>>, vector<1x1536x512xf32>
    %get3A_260 = vector.shape_cast %get3A_259 : vector<1x1536x512xf32> to vector<1536x512xf32>
    %mul3A_261 = vector.broadcast %get3A_4 : f32 to vector<1536x512xf32>
    %mul3A_262 = arith.mulf %mul3A_261, %get3A_260 : vector<1536x512xf32>
    %mul3A_263 = vector.broadcast %get3A_8 : f32 to vector<1536x512xf32>
    %mul3A_264 = arith.mulf %mul3A_263, %mul3A_255 : vector<1536x512xf32>
    %add3A_265 = arith.addf %mul3A_262, %mul3A_264 : vector<1536x512xf32>
    %swap3A = arith.constant 0 : index
    %swap3A_266 = arith.constant 0 : index
    %swap3A_267 = arith.constant 0 : index
    %swap3A_268 = vector.load %arg5[%swap3A, %swap3A_266, %swap3A_267] : memref<1x1536x512xf32, #tpu.memory_space<vmem>>, vector<1x1536x512xf32>
    %swap3A_269 = vector.shape_cast %swap3A_268 : vector<1x1536x512xf32> to vector<1536x512xf32>
    %swap3A_270 = vector.shape_cast %add3A_265 : vector<1536x512xf32> to vector<1x1536x512xf32>
    tpu.vector_store %arg5[%swap3A, %swap3A_266, %swap3A_267], %swap3A_270 {strides = array<i32>} : memref<1x1536x512xf32, #tpu.memory_space<vmem>>, vector<1x1536x512xf32>,
    %swap3A_271 = arith.constant 0 : index
    %swap3A_272 = arith.constant 0 : index
    %swap3A_273 = arith.constant 0 : index
    %swap3A_274 = vector.load %arg6[%swap3A_271, %swap3A_272, %swap3A_273] : memref<1x1536x512xf32, #tpu.memory_space<vmem>>, vector<1x1536x512xf32>
    %swap3A_275 = vector.shape_cast %swap3A_274 : vector<1x1536x512xf32> to vector<1536x512xf32>
    %swap3A_276 = vector.shape_cast %mul3A_255 : vector<1536x512xf32> to vector<1x1536x512xf32>
    tpu.vector_store %arg6[%swap3A_271, %swap3A_272, %swap3A_273], %swap3A_276 {strides = array<i32>} : memref<1x1536x512xf32, #tpu.memory_space<vmem>>, vector<1x1536x512xf32>,
    return
  }
  func.func @transform_0(%arg0: i32, %arg1: i32) -> i32 {
    %c0_i32 = arith.constant 0 : i32
    %c0_i32_0 = arith.constant 0 : i32
    return %c0_i32 : i32
  }
  func.func @transform_1(%arg0: i32, %arg1: i32) -> (i32, i32) {
    %c0_i32 = arith.constant 0 : i32
    %c0_i32_0 = arith.constant 0 : i32
    %c0_i32_1 = arith.constant 0 : i32
    return %c0_i32, %c0_i32_0 : i32, i32
  }
  func.func @transform_2(%arg0: i32, %arg1: i32) -> (i32, i32, i32) {
    %c0_i32 = arith.constant 0 : i32
    %c0_i32_0 = arith.constant 0 : i32
    return %arg0, %arg1, %c0_i32 : i32, i32, i32
  }
  func.func @transform_3(%arg0: i32, %arg1: i32) -> (i32, i32, i32) {
    %c0_i32 = arith.constant 0 : i32
    %c0_i32_0 = arith.constant 0 : i32
    return %arg0, %arg1, %c0_i32 : i32, i32, i32
  }
  func.func @transform_4(%arg0: i32, %arg1: i32) -> (i32, i32, i32) {
    %c0_i32 = arith.constant 0 : i32
    %c0_i32_0 = arith.constant 0 : i32
    return %arg0, %arg1, %c0_i32 : i32, i32, i32
  }
}

</mosaic_0001>

<sc_bundles>
// kernel: kernel.4.cloned.1.call-start
scs
__scs_entry_jumppad:
0x0: {  	(pc) =	sbr.rel $0x88, $3  }
0x1: {  	(tag) =	ssettag $0x0;
	lr =	simm.s32 $0x1  }
0x2: {  	[smem:$0x3F9D] =	sst lr;
	_ =	strace $0xD0000000  }
0x3: {  	_ = 	snop  }
0x4: {  	_ = 	snop  }
0x5: {  	_ = 	snop  }
0x6: {  	_ = 	snop  }
0x7: {  	_ = 	snop  }
__scs_overlays_trampoline_lowered:
0x8: {  	[smem:$0x3FAC] =	sst s0  }
0x9: {  	[smem:$0x3FAD] =	sst s1  }
0xa: {  	[smem:$0x3FAE] =	sst s2  }
0xb: {  	[smem:$0x3FAF] =	sst s3  }
0xc: {  	[smem:$0x3FB0] =	sst s4  }
0xd: {  	[smem:$0x3FB1] =	sst s5  }
0xe: {  	[smem:$0x3FB2] =	sst s6  }
0xf: {  	[smem:$0x3FB3] =	sst s7  }
0x10: {  	[smem:$0x3FB4] =	sst s8  }
0x11: {  	[smem:$0x3FB5] =	sst s9;
	s0 =	simm.s32 @!p0 $0x0  }
0x12: {  	s1 =	sld [smem:$0x3F9B];
	s0 =	simm.s32 @p0 $0x1  }
0x13: {  	[smem:$0x3FB6] =	sst s0;
	s0 =	simm.s32 @!p1 $0x0  }
0x14: {  	s2 =	sld [smem:$0x3F9A];
	s0 =	simm.s32 @p1 $0x1  }
0x15: {  	[smem:$0x3FB7] =	sst s0;
	s0 =	simm.s32 @!p2 $0x0  }
0x16: {  	s3 =	sld [smem:$0x3FDB];
	s0 =	simm.s32 @p2 $0x1  }
0x17: {  	s4 =	simm.s32 $0x1BF5;
	[smem:$0x3FB9] =	sst s0  }
0x18: {  	s0 =	sld [smem:$0x3F9C];
	_ =	swait.ge [sflag:s4], $0x0  }
0x19: {  	s7 =	sld [smem:$0x3F9D]  }
0x1a: {  	s8 =	sadd.s32 $0xFFFFE003, lr  }
0x1b: {  	s9 =	sadd.s32 $0xFFFFFEF7, lr;
	s5 =	simm.s32 $0xFFFFFFFF;
	p2 =	slt.u32 s8, $0xFFFFF086  }
0x1c: {  	p1 =	slt.u32 s9, $0xF7A;
	s5 =	simm.s32 @!p2 $0x0  }
0x1d: {  	s5 =	simm.s32 @p1 $0x1;
	p0 =	seq.s32 s7, s2  }
0x1e: {  	s7 =	smul.u32 @!p0 $0xF7A, s2;
	p2 =	seq.s32 @!p0 s5, $0x0  }
0x1f: {  	s9 =	smul.u32 $0xF7A, s1;
	s8 =	simm.s32 @!p0 $0x1BF5;
	p2 =	por !p2, p0  }
0x20: {  	[sflag:s8] =	ssyncset.s32 @!p0 $0xFFFFF086;
	s6 =	sadd.s32 @!p0 s3, s7;
	s7 =	simm.s32 @!p0 $0x108  }
0x21: {  	s3 =	sadd.s32 s3, s9;
	s6 =	sadd.s32 @!p0 $0x88, s6;
	s7 =	simm.s32 @p2 $0x1082  }
0x22: {  	[simem:s7], [sflag:s8] =	dma.local @!p0 [hbm:s6], $0xF7A  }
0x23: {  	s9 =	sor.u32 $0xD0000000, s2;
	s6 =	simm.s32 $0x108;
	_ =	swait.ge @!p0 [sflag:s8], $0x0  }
0x24: {  	s3 =	sadd.s32 $0x88, s3;
	s6 =	simm.s32 @!p1 $0x1082;
	[sflag:s4] =	ssyncset.s32 $0xFFFFF086  }
0x25: {  	[simem:s6], [sflag:s4] =	dma.local [hbm:s3], $0xF7A  }
0x26: {  	[smem:$0x3F9D] =	sst s1;
	(tag) =	ssettag s2;
	_ =	strace s9  }
0x27: {  	s1 =	sld [smem:$0x3FAD]  }
0x28: {  	s2 =	sld [smem:$0x3FAE]  }
0x29: {  	s4 =	sld [smem:$0x3FB0]  }
0x2a: {  	p0 =	seq.s32 s5, $0x0;
	s5 =	sld [smem:$0x3FB1]  }
0x2b: {  	s6 =	sld [smem:$0x3FB2]  }
0x2c: {  	s7 =	sld [smem:$0x3FB3]  }
0x2d: {  	s3 =	simm.s32 $0x108;
	s8 =	sld [smem:$0x3FB4]  }
0x2e: {  	s3 =	simm.s32 @!p0 $0x1082;
	s9 =	sld [smem:$0x3FB5]  }
0x2f: {  	lr =	sadd.s32 s0, s3;
	s0 =	sld [smem:$0x3FAC]  }
0x30: {  	s3 =	sld [smem:$0x3FAF]  }
0x31: {  	[smem:$0x3FB8] =	sst s10  }
0x32: {  	s10 =	sld [smem:$0x3FB6];
	_ =	sdelay $0x3  }
0x33: {  	p0 =	seq.s32 s10, $0x1;
	s10 =	sld [smem:$0x3FB8];
	_ =	sdelay $0x3  }
0x34: {  	[smem:$0x3FB8] =	sst s10  }
0x35: {  	s10 =	sld [smem:$0x3FB7];
	_ =	sdelay $0x3  }
0x36: {  	p1 =	seq.s32 s10, $0x1;
	s10 =	sld [smem:$0x3FB8];
	_ =	sdelay $0x3  }
0x37: {  	[smem:$0x3FB8] =	sst s10  }
0x38: {  	s10 =	sld [smem:$0x3FB9]  }
0x39: {  	_ = 	snop;
	(pc) =	sbr.ind lr, $3  }
0x3a: {  	_ = 	snop  }
0x3b: {  	_ = 	snop  }
0x3c: {  	p2 =	seq.s32 s10, $0x1;
	s10 =	sld [smem:$0x3FB8]  }
0x3d: {  	_ =	shalt  }
0x3e: {  	_ =	shalt  }
0x3f: {  	_ =	shalt  }
0x40: {  	_ =	shalt  }
0x41: {  	_ =	shalt  }
0x42: {  	_ =	shalt  }
0x43: {  	_ =	shalt  }
0x44: {  	_ =	shalt  }
0x45: {  	_ =	shalt  }
0x46: {  	_ =	shalt  }
0x47: {  	_ =	shalt  }
0x48: {  	_ =	shalt  }
0x49: {  	_ =	shalt  }
0x4a: {  	_ =	shalt  }
0x4b: {  	_ =	shalt  }
0x4c: {  	_ =	shalt  }
0x4d: {  	_ =	shalt  }
0x4e: {  	_ =	shalt  }
0x4f: {  	_ =	shalt  }
0x50: {  	_ =	shalt  }
0x51: {  	_ =	shalt  }
0x52: {  	_ =	shalt  }
0x53: {  	_ =	shalt  }
0x54: {  	_ =	shalt  }
0x55: {  	_ =	shalt  }
0x56: {  	_ =	shalt  }
0x57: {  	_ =	shalt  }
0x58: {  	_ =	shalt  }
0x59: {  	_ =	shalt  }
0x5a: {  	_ =	shalt  }
0x5b: {  	_ =	shalt  }
0x5c: {  	_ =	shalt  }
0x5d: {  	_ =	shalt  }
0x5e: {  	_ =	shalt  }
0x5f: {  	_ =	shalt  }
0x60: {  	_ =	shalt  }
0x61: {  	_ =	shalt  }
0x62: {  	_ =	shalt  }
0x63: {  	_ =	shalt  }
0x64: {  	_ =	shalt  }
0x65: {  	_ =	shalt  }
0x66: {  	_ =	shalt  }
0x67: {  	_ =	shalt  }
0x68: {  	_ =	shalt  }
0x69: {  	_ =	shalt  }
0x6a: {  	_ =	shalt  }
0x6b: {  	_ =	shalt  }
0x6c: {  	_ =	shalt  }
0x6d: {  	_ =	shalt  }
0x6e: {  	_ =	shalt  }
0x6f: {  	_ =	shalt  }
0x70: {  	_ =	shalt  }
0x71: {  	_ =	shalt  }
0x72: {  	_ =	shalt  }
0x73: {  	_ =	shalt  }
0x74: {  	_ =	shalt  }
0x75: {  	_ =	shalt  }
0x76: {  	_ =	shalt  }
0x77: {  	_ =	shalt  }
0x78: {  	_ =	shalt  }
0x79: {  	_ =	shalt  }
0x7a: {  	_ =	shalt  }
0x7b: {  	_ =	shalt  }
0x7c: {  	_ =	shalt  }
0x7d: {  	_ =	shalt  }
0x7e: {  	_ =	shalt  }
0x7f: {  	_ =	shalt  }
0x80: {  	_ =	shalt  }
0x81: {  	_ =	shalt  }
0x82: {  	_ =	shalt  }
0x83: {  	_ =	shalt  }
0x84: {  	_ =	shalt  }
0x85: {  	_ =	shalt  }
0x86: {  	_ =	shalt  }
0x87: {  	_ =	shalt  }
.Lfunc_end0:
.L_simem_size_0:
called_computation_lowered:
.L_overlay_start_0:
0x88: {  	s2 =	sld [smem:$0x3FD9]  }
0x89: {  	s3 =	sld [smem:$0x3FFE];
	_ =	sdelay $0x1  }
0x8a: {  	s1 =	srdreg.scid  }
0x8b: {  	s0 =	sand.u32 $0x1, s1  }
0x8c: {  	s14 =	sshll.u32 s0, $0xA;
	s2 =	sadd.s32 s3, s2  }
0x8d: {  	s2 =	sadd.s32 s2, s14  }
0x8e: {  	[smem:$0x3FC4] =	sst s2  }
0x8f: {  	_ = 	snop  }
0x90: {  	s2 =	sld [smem:$0x3FD0];
	_ =	sdelay $0x2  }
0x91: {  	s4 =	simm.s32 $0xA;
	s5 =	simm.s32 $0x10;
	s15 =	sld [smem:$0x3FC8]  }
0x92: {  	[smem:s5], [sflag:s4] =	dma.local [hbm:s2], $0x1  }
0x93: {  	_ =	swait.eq [sflag:s4], $0x1  }
0x94: {  	[sflag:s4] =	ssyncset.done $0x0  }
0x95: {  	s16 =	sld [smem:$0x10];
	[sflag:s4] =	ssyncadd.s32 $0xFFFFFFFF  }
0x96: {  	s17 =	sld [smem:$0x11];
	(tm) =	ssettm $0x1  }
0x97: {  	s18 =	sld [smem:$0x3FFB];
	_ =	sdelay $0x3  }
0x98: {  	_ =	strace s18  }
0x99: {  	s5 =	sld [smem:$0x3FFC];
	_ =	sdelay $0x3  }
0x9a: {  	_ =	strace s5  }
0x9b: {  	s5 =	sld [smem:$0x3FFD];
	_ =	sdelay $0x3  }
0x9c: {  	_ =	strace s5  }
0x9d: {  	_ =	strace $0x8FFFFFFF  }
0x9e: {  	s19 =	sld [smem:$0x3FDB];
	_ =	sdelay $0x1  }
0x9f: {  	s6 =	simm.s32 $_scs_section_size  }
0xa0: {  	s7 =	simm.s32 $_size__tile_overlayer_lowered;
	s8 =	simm.s32 $_tile_overlayer_lowered  }
0xa1: {  	s22 =	simm.s32 $0x1BFF;
	s21 =	sshll.u32 s8, $0x1;
	s5 =	sadd.s32 s6, s19  }
0xa2: {  	s9 =	simm.s32 $0x0;
	s20 =	sshll.u32 s7, $0x1;
	s7 =	sadd.s32 s21, s5  }
0xa3: {  	[timem:s9], [sflag:s22] =	dma.local [hbm:s7], s20  }
0xa4: {  	_ =	swait.ge [sflag:s22], s20  }
0xa5: {  	s6 =	ssub.s32 $0x0, s20;
	[sflag:s22] =	ssyncset.done $0x0  }
0xa6: {  	[sflag:s22] =	ssyncadd.s32 s6;
	_ =	sdelay $0x1  }
0xa7: {  	s23 =	simm.s32 $0x1B8B  }
0xa8: {  	_ =	swait.ge [sflag:s23], $0x1  }
0xa9: {  	[sflag:s23] =	ssyncset.done $0x0  }
0xaa: {  	s25 =	simm.s32 $0x1B8E;
	s24 =	sld [smem:$0x3FFE];
	[sflag:s23] =	ssyncadd.s32 $0xFFFFFFFF  }
0xab: {  	s26 =	simm.s32 $execute0_lowered;
	[smem:$0x3FD2] =	sst s25  }
0xac: {  	s7 =	sshll.u32 s26, $0x1;
	_ =	strace $0x80000046;
	[dreg:$0x1] =	wrdreg $0xFFFFFFFF  }
0xad: {  	s28 =	simm.s32 $_size_execute0_lowered;
	s5 =	sadd.s32 s5, s7;
	[dreg:$0x0] =	wrdreg $0x0  }
0xae: {  	s7 =	sshll.u32 s28, $0x1;
	[dreg:$0x2] =	wrdreg s5  }
0xaf: {  	[dreg:$0x3] =	wrdreg s7  }
0xb0: {  	[dreg:$0x4] =	wrdreg $0xC0  }
0xb1: {  	_ =	task [dreg:s9], $0x5FFFF  }
0xb2: {  	[dreg:$0x1] =	wrdreg $0xFFFFFFFF  }
0xb3: {  	[dreg:$0x0] =	wrdreg $0x60  }
0xb4: {  	[dreg:$0x2] =	wrdreg s15  }
0xb5: {  	[dreg:$0x3] =	wrdreg s24  }
0xb6: {  	[dreg:$0x4] =	wrdreg s16  }
0xb7: {  	[dreg:$0x5] =	wrdreg s17  }
0xb8: {  	[dreg:$0x6] =	wrdreg $0x9  }
0xb9: {  	_ =	task.clear_ibuf [dreg:s9], $0x7FFFF;
	_ =	strace $0x90000046  }
0xba: {  	s29 =	simm.s32 $0x9;
	_ =	strace $0x80000048  }
0xbb: {  	_ =	swait.ge [sflag:s29], $0x1  }
0xbc: {  	[sflag:s29] =	ssyncadd.s32 $0xFFFFFFFF  }
0xbd: {  	_ =	strace $0x90000048  }
0xbe: {  	_ =	sfence  }
0xbf: {  	s30 =	sld [smem:$0x0];
	_ =	sdelay $0x2  }
0xc0: {  	s31 =	sshll.u32 s1, $0xD;
	s1 =	sshrl.u32 s1, $0x2  }
0xc1: {  	s3 =	sand.u32 $0x4000, s31;
	s1 =	sadd.s32 s1, s30  }
0xc2: {  	s0 =	sor.u32 s3, s0;
	s1 =	sshll.u32 s1, $0x11  }
0xc3: {  	s0 =	sor.u32 s1, s0  }
0xc4: {  	s0 =	sadd.s32 $0x8F2B, s0  }
0xc5: {  	[sflag:s0] =	ssyncadd.remote.s32 $0x1  }
0xc6: {  	_ =	sfence.sel $0xFFFF  }
0xc7: {  	[dreg:$0x0] =	wrdreg $0xFFFFFFFF;
	(pc) =	sbr.abs _section_cstart, $3  }
0xc8: {  	[dreg:$0x1] =	wrdreg $0xFFFFFFFF  }
0xc9: {  	_ =	task.clear_ibuf [dreg:s9], $0x2FFFF;
	_ =	strace $0x9FFFFFFF  }
0xca: {  	(tm) =	ssettm $0x7FFFFFFF  }
0xcb: {  	_ =	shalt  }
tec
execute0_lowered:
.L_overlay_start_1:
0x0: {  	(tag) =	ssettag $0x1  }
0x1: {  	s1 =	stileid.u32  }
0x2: {  	s2 =	rddreg [dreg:$0x0];
	p0 =	sgt.u32 s1, $0x1  }
.Ltmp0:
0x3: {  	s7 =	rddreg [dreg:$0x1];
	(pc) =	sbr.rel @p0 .LBB2_4-.Ltmp0, $4  }
0x4: {  	s3 =	rddreg [dreg:$0x2]  }
0x5: {  	s13 =	rddreg [dreg:$0x3];
	s4 =	simm.s32 $0x0  }
0x6: {  	[smem:$0x7FF] =	sst s4  }
0x7: {  	s0 =	rddreg [dreg:$0x4];
	_ =	strace $0x80000047  }
0x8: {  	s5 =	simm.s32 $0x2  }
0x9: {  	[tilespmem:s4], [sflag:$0x2] =	stream.linear.gather [hbm4b:s2+s4], $0x80, $0x38;
	[tilespmem:$0x2080] =	vst v63  }
0xa: {  	s6 =	srdreg.scid;
	_ =	swait.ge [sflag:s5], $0x80  }
0xb: {  	s10 =	sand.u32 $0x1, s6;
	[sflag:s5] =	ssyncset.done $0x0  }
0xc: {  	s6 =	sshll.u32 s10, $0x4;
	[sflag:s5] =	ssyncadd.s32 $0xFFFFFF80  }
0xd: {  	v0 =	vld [tilespmem:s6+$0x0];
	_ =	sdelay $0x3  }
0xe: {  	p0 =	sne.s32 s1, $0x0  }
0xf: {  	s7 =	sadd.s32 $0xC00, s7;
	s12 =	simm.s32 @!p0 $0x0;
	s11 =	sshll.u32 s10, $0xB;
	v0 =	vshra.s32 v0, $0x7  }
0x10: {  	s15 =	sshll.u32 s10, $0x8;
	s16 =	ssub.s32 $0x2, s10;
	s9 =	sor.u32 $0x20, s6  }
0x11: {  	s10 =	simm.s32 @p0 $0x0;
	s17 =	sshrl.u32 s16, $0x1;
	s8 =	sshll.u32 s9, $0x7  }
0x12: {  	s14 =	sshll.u32 s9, $0x4;
	s9 =	sor.u32 $0x80, s11;
	s16 =	ssub.s32 s16, s17  }
0x13: {  	vm0 =	vmmov @p0 $0xffff;
	s8 =	sor.u32 $0x80, s8;
	s15 =	smov.u32 @p0 s14;
	s16 =	smax.u32 s16, $0x1  }
0x14: {  	[tilespmem:s8], [sflag:$0x1] =	stream.indirect_vreg.gather @p0 [hbm4b:s3+s10], $0x80, v0, vm0, $0xb8;
	[tilespmem:$0x2080] =	vst v63  }
0x15: {  	vm1 =	vmmov @!p0 $0xffff;
	s11 =	simm.s32 $0x1;
	s13 =	sadd.s32 s13, s15;
	s15 =	sadd.s32 $0xFFFFFFFF, s16  }
0x16: {  	[tilespmem:s9], [sflag:$0x1] =	stream.indirect_vreg.gather @!p0 [hbm4b:s7+s12], $0x80, v0, vm1, $0xb8;
	[tilespmem:$0x2080] =	vst v63  }
0x17: {  	p1 =	sne.s32 s15, $0x0;
	_ =	swait.ge [sflag:s11], $0x800  }
.Ltmp1:
0x18: {  	s14 =	smov.u32 s9;
	[sflag:s11] =	ssyncset.done $0x0;
	(pc) =	sbr.rel @!p1 .LBB2_3-.Ltmp1, $4  }
0x19: {  	s14 =	smov.u32 @p0 s8;
	[sflag:s11] =	ssyncadd.s32 $0xFFFFF800  }
0x1a: {  	[hbm4b:s13+s4] =	stream.linear.scatter [tilespmem:s14], [sflag:$0x2], $0x800, $0x38;
	[tilespmem:$0x2080] =	vst v63  }
0x1b: {  	_ =	swait.ge [sflag:s5], $0x800  }
0x1c: {  	[sflag:s5] =	ssyncset.done $0x0  }
.LBB2_2:
0x1d: {  	s15 =	sadd.s32 $0xFFFFFFFF, s15;
	[sflag:s5] =	ssyncadd.s32 $0xFFFFF800  }
0x1e: {  	[tilespmem:s4], [sflag:$0x2] =	stream.linear.gather [hbm4b:s2+s4], $0x80, $0x38;
	[tilespmem:$0x2080] =	vst v63  }
0x1f: {  	p1 =	sne.s32 s15, $0x0;
	_ =	swait.ge [sflag:s5], $0x80  }
0x20: {  	[sflag:s5] =	ssyncset.done $0x0  }
0x21: {  	[sflag:s5] =	ssyncadd.s32 $0xFFFFFF80  }
0x22: {  	v0 =	vld [tilespmem:s6+$0x0];
	_ =	sdelay $0x4  }
0x23: {  	v0 =	vshra.s32 v0, $0x7;
	_ =	sdelay $0x4  }
0x24: {  	[tilespmem:s8], [sflag:$0x1] =	stream.indirect_vreg.gather @p0 [hbm4b:s3+s10], $0x80, v0, vm0, $0xb8;
	[tilespmem:$0x2080] =	vst v63  }
0x25: {  	_ = 	snop  }
0x26: {  	[tilespmem:s9], [sflag:$0x1] =	stream.indirect_vreg.gather @!p0 [hbm4b:s7+s12], $0x80, v0, vm1, $0xb8;
	[tilespmem:$0x2080] =	vst v63  }
0x27: {  	_ =	swait.ge [sflag:s11], $0x800  }
.Ltmp2:
0x28: {  	[sflag:s11] =	ssyncset.done $0x0;
	(pc) =	sbr.rel @p1 .LBB2_2-.Ltmp2, $4  }
0x29: {  	[sflag:s11] =	ssyncadd.s32 $0xFFFFF800  }
0x2a: {  	[hbm4b:s13+s4] =	stream.linear.scatter [tilespmem:s14], [sflag:$0x2], $0x800, $0x38;
	[tilespmem:$0x2080] =	vst v63  }
0x2b: {  	_ =	swait.ge [sflag:s5], $0x800  }
0x2c: {  	[sflag:s5] =	ssyncset.done $0x0  }
.LBB2_3:
0x2d: {  	[sflag:s5] =	ssyncadd.s32 $0xFFFFF800  }
.LBB2_4:
0x2e: {  	_ =	sfence.sel $0x180000  }
0x2f: {  	[bflag:$0x0] =	sbarrier.arrive $0xFFFF  }
0x30: {  	p0 =	sne.s32 s1, $0x0;
	_ =	strace $0x90000047  }
0x31: {  	s0 =	sadd.s32 @!p0 $0x100000, s0;
	[bflag:$0x2] =	sbarrier.arrive $0xFFFF  }
0x32: {  	[sflag:s0] =	ssyncadd.tile.s32 @!p0 $0x1;
	_ =	shalt  }
.Lfunc_end2:
_tile_overlayer_lowered:
.L_overlay_start_2:
0x33: {  	(tag) =	ssettag $0x2  }
0x34: {  	s0 =	rddreg [dreg:$0x0];
	s2 =	stileid.u32  }
0x35: {  	s1 =	rddreg [dreg:$0x1];
	p0 =	sne.s32 s2, $0x0  }
0x36: {  	s3 =	rddreg [dreg:$0x2];
	[bflag:$0x3] =	sbarrier.arrive $0xFFFF;
	s2 =	simm.s32 @!p0 $0x1C02  }
0x37: {  	[timem:s3], [sflag:s2] =	dma.local @!p0 [hbm:s0], s1  }
0x38: {  	s0 =	simm.s32 @!p0 $0x2  }
0x39: {  	_ =	swait.ge @!p0 [sflag:s0], s1  }
0x3a: {  	s1 =	ssub.s32 @!p0 $0x0, s1;
	[sflag:s0] =	ssyncset.done @!p0 $0x0  }
0x3b: {  	[sflag:s0] =	ssyncadd.s32 @!p0 s1  }
0x3c: {  	[bflag:$0x3] =	sbarrier.arrive $0xFFFF  }
0x3d: {  	_ =	shalt  }

</sc_bundles>
